<compile_context>
chip_gen: v7x
topology: tpu7x:2x2x1
jax: 0.10.2.dev20260603
libtpu: 0.0.44.dev20260713+nightly
codegen_flags: <defaults>
</compile_context>

<pallas_src>
import functools

import jax
import jax.numpy as jnp
from jax import lax
from jax.experimental import pallas as pl
from jax.experimental.pallas import tpu as pltpu
from jax.experimental.pallas import tpu_sc as plsc

VOCAB = 1000
HIDDEN = 32
HPAD = 128
B, L = 4096, 20
NTOK = B * L

NC, NS = 2, 16
NW = NC * NS
BPW = NTOK // NW
K = 128
NCH = BPW // K
NBUF = 4


def _sc_gather_body(emb_hbm, idx_hbm, h_hbm, idx_v, bufs, sems):
    wid = lax.axis_index("s") * NC + lax.axis_index("c")
    pltpu.sync_copy(idx_hbm.at[pl.ds(wid * NCH, NCH)], idx_v)
    base = wid * BPW

    for s in range(NBUF):
        pltpu.async_copy(emb_hbm.at[idx_v.at[s]], bufs.at[s], sems.at[s])

    def body(g, carry):
        for s in range(NBUF):
            c = g * NBUF + s
            pltpu.make_async_copy(
                emb_hbm.at[idx_v.at[c]], bufs.at[s], sems.at[s]).wait()
            pltpu.sync_copy(bufs.at[s], h_hbm.at[pl.ds(base + c * K, K)])

            @pl.when(c + NBUF < NCH)
            def _():
                pltpu.async_copy(
                    emb_hbm.at[idx_v.at[c + NBUF]], bufs.at[s], sems.at[s])
        return carry

    lax.fori_loop(0, NCH // NBUF, body, 0)


_sc_gather = functools.partial(
    pl.kernel,
    out_type=jax.ShapeDtypeStruct((NTOK, HPAD), jnp.float32),
    mesh=plsc.VectorSubcoreMesh(core_axis_name="c", subcore_axis_name="s"),
    scratch_types=[
        pltpu.VMEM((NCH, K), jnp.int32),
        pltpu.VMEM((NBUF, K, HPAD), jnp.float32),
        pltpu.SemaphoreType.DMA((NBUF,)),
    ],
    compiler_params=pltpu.CompilerParams(use_tc_tiling_on_sc=False),
)(_sc_gather_body)


def _mm_body(w_ref, h_ref, b_ref, out_ref):
    acc = lax.dot_general(
        w_ref[...], h_ref[...],
        dimension_numbers=(((1,), (1,)), ((), ())),
        preferred_element_type=jnp.float32,
    ) + b_ref[...]
    out_ref[...] = acc[None]


_mm_call = pl.pallas_call(
    _mm_body,
    grid=(L,),
    in_specs=[
        pl.BlockSpec((VOCAB, HPAD), lambda l: (0, 0)),
        pl.BlockSpec((B, HPAD), lambda l: (l, 0)),
        pl.BlockSpec((VOCAB, 1), lambda l: (0, 0)),
    ],
    out_specs=pl.BlockSpec((1, VOCAB, B), lambda l: (l, 0, 0)),
    out_shape=jax.ShapeDtypeStruct((L, VOCAB, B), jnp.float32),
    compiler_params=pltpu.CompilerParams(
        dimension_semantics=("arbitrary",),
        vmem_limit_bytes=60 * 1024 * 1024,
    ),
)


@jax.jit
def kernel(x, emb_table, W, b):
    emb_pad = jnp.zeros((VOCAB, HPAD), jnp.float32).at[:, :HIDDEN].set(emb_table)
    w_pad = jnp.zeros((VOCAB, HPAD), jnp.float32).at[:, :HIDDEN].set(W)
    idx = x.T.reshape(NTOK // K, K)
    h = _sc_gather(emb_pad, idx)
    out_phys = _mm_call(w_pad, h, b.reshape(VOCAB, 1))
    return out_phys.transpose(2, 0, 1)

# --- scband reference (transcript-rebuilt; emitter-appended) ---
"""Pipeline reference for scband-mock-model-66125316489634 (READ-ONLY COPY).

The authoritative reference and input builder live on the scoring server;
editing this copy changes nothing except your own understanding.
"""

import jax, jax.numpy as jnp
import numpy as np

VOCAB = 1000
HIDDEN = 32

def setup_inputs(seed: int = 0) -> dict:
    key = jax.random.key(seed)
    k1, k2, k3, k4 = jax.random.split(key, 4)
    x = jax.random.randint(k1, (4096, 20), 0, VOCAB, dtype=jnp.int64 if jax.config.jax_enable_x64 else jnp.int32).astype(jnp.int32)
    # learned params
    emb_table = jax.random.normal(k2, (VOCAB, HIDDEN), dtype=jnp.float32)
    # nn.Linear(hidden, vocab): weight [vocab, hidden], bias [vocab]
    bound = 1.0 / np.sqrt(HIDDEN)
    W = jax.random.uniform(k3, (VOCAB, HIDDEN), minval=-bound, maxval=bound, dtype=jnp.float32)
    b = jax.random.uniform(k4, (VOCAB,), minval=-bound, maxval=bound, dtype=jnp.float32)
    return {"x": x, "emb_table": emb_table, "W": W, "b": b}

def reference(x, emb_table, W, b):
    # embedding lookup (gather)
    h = jnp.take(emb_table, x, axis=0)            # [B, L, HIDDEN]
    # linear: h @ W.T + b
    out = jnp.einsum('blh,vh->blv', h, W) + b     # [B, L, VOCAB]
    return out

if __name__ == "__main__":
    import jax
    _d = setup_inputs()
    print(jax.jit(kernel)(*tuple(_d.values())))

</pallas_src>

<mosaic_0001>
#map = affine_map<(d0, d1) -> (0, 0)>
module attributes {stable_mosaic.version = 14 : i64} {
  func.func @_sc_gather_body(%arg0: i32, %arg1: i32, %arg2: memref<1000x128xf32, #tpu.memory_space<hbm>>, %arg3: memref<640x128xi32, #tpu.memory_space<hbm>>, %arg4: memref<81920x128xf32, #tpu.memory_space<hbm>>, %arg5: memref<20x128xi32, #tpu.memory_space<vmem>>, %arg6: memref<4x128x128xf32, #tpu.memory_space<vmem>>, %arg7: memref<4x!tpu.dma_semaphore, #tpu.memory_space<semaphore_mem>>) attributes {dimension_semantics = [#tpu.dimension_semantics<core_parallel>, #tpu.dimension_semantics<subcore_parallel>], iteration_bounds = array<i64: 2, 16>, scalar_prefetch = 0 : i64, scratch_operands = 3 : i64, tpu.core_type = #tpu.core_type<sc_vector_subcore>, window_params = [{transform_indices = #map}, {transform_indices = #map}, {transform_indices = #map}]} {
    %mul3A = arith.constant 2 : i32
    %mul3A_0 = arith.muli %arg1, %mul3A : i32
    %add3A = arith.addi %mul3A_0, %arg0 : i32
    %mul3A_1 = arith.constant 20 : i32
    %mul3A_2 = arith.muli %add3A, %mul3A_1 : i32
    "tpu.region"() ({
      %run_scoped3A = tpu.sem_alloc : memref<!tpu.dma_semaphore, #tpu.memory_space<semaphore_mem>>
      %dma_start3A_69 = arith.constant 0 : i32
      %dma_start3A_70 = tpu.memref_slice %arg3[%mul3A_2, %dma_start3A_69] : memref<640x128xi32, #tpu.memory_space<hbm>> -> memref<20x128xi32, #tpu.memory_space<hbm>>
      %dma_start3A_71 = arith.constant 0 : i32
      %dma_start3A_72 = tpu.memref_slice %arg3[%mul3A_2, %dma_start3A_71] : memref<640x128xi32, #tpu.memory_space<hbm>> -> memref<20x128xi32, #tpu.memory_space<hbm>>
      tpu.enqueue_dma source(%dma_start3A_72 : memref<20x128xi32, #tpu.memory_space<hbm>>) target(%arg5 : memref<20x128xi32, #tpu.memory_space<vmem>>) target_semaphore(%run_scoped3A : memref<!tpu.dma_semaphore, #tpu.memory_space<semaphore_mem>>)
      %dma_wait3A = arith.constant 0 : i32
      %dma_wait3A_73 = tpu.memref_slice %arg3[%mul3A_2, %dma_wait3A] : memref<640x128xi32, #tpu.memory_space<hbm>> -> memref<20x128xi32, #tpu.memory_space<hbm>>
      %dma_wait3A_74 = arith.constant 0 : i32
      %dma_wait3A_75 = tpu.memref_slice %arg3[%mul3A_2, %dma_wait3A_74] : memref<640x128xi32, #tpu.memory_space<hbm>> -> memref<20x128xi32, #tpu.memory_space<hbm>>
      tpu.wait_dma2 semaphore(%run_scoped3A : memref<!tpu.dma_semaphore, #tpu.memory_space<semaphore_mem>>) src(%dma_wait3A_75 : memref<20x128xi32, #tpu.memory_space<hbm>>) dst(%arg5 : memref<20x128xi32, #tpu.memory_space<vmem>>)
      tpu.yield
    }) : () -> ()
    %mul3A_3 = arith.constant 2560 : i32
    %mul3A_4 = arith.muli %add3A, %mul3A_3 : i32
    %dma_start3A = arith.constant 0 : i32
    %dma_start3A_5 = arith.constant 0 : i32
    %dma_start3A_6 = arith.constant 0 : i32
    %dma_start3A_7 = arith.constant 0 : i32
    %dma_start3A_8 = arith.constant 0 : i32
    %dma_start3A_9 = tpu.memref_slice %arg6[%dma_start3A_5, %dma_start3A_7, %dma_start3A_8] : memref<4x128x128xf32, #tpu.memory_space<vmem>> -> memref<1x128x128xf32, #tpu.memory_space<vmem>>
    %dma_start3A_10 = tpu.memref_squeeze %dma_start3A_9 : memref<1x128x128xf32, #tpu.memory_space<vmem>> -> memref<128x128xf32, #tpu.memory_space<vmem>>
    %dma_start3A_11 = arith.constant 0 : i32
    %dma_start3A_12 = tpu.memref_slice %arg5[%dma_start3A, %dma_start3A_11] : memref<20x128xi32, #tpu.memory_space<vmem>> -> memref<1x128xi32, #tpu.memory_space<vmem>>
    %dma_start3A_13 = tpu.memref_squeeze %dma_start3A_12 : memref<1x128xi32, #tpu.memory_space<vmem>> -> memref<128xi32, #tpu.memory_space<vmem>>
    %dma_start3A_14 = arith.constant 0 : i32
    %dma_start3A_15 = arith.constant 0 : i32
    %dma_start3A_16 = tpu.memref_slice %arg2[%dma_start3A_14, %dma_start3A_15] : memref<1000x128xf32, #tpu.memory_space<hbm>> -> memref<1000x128xf32, #tpu.memory_space<hbm>>
    %dma_start3A_17 = tpu.memref_slice %arg7[%dma_start3A_6] : memref<4x!tpu.dma_semaphore, #tpu.memory_space<semaphore_mem>> -> memref<1x!tpu.dma_semaphore, #tpu.memory_space<semaphore_mem>>
    %dma_start3A_18 = tpu.memref_squeeze %dma_start3A_17 : memref<1x!tpu.dma_semaphore, #tpu.memory_space<semaphore_mem>> -> memref<!tpu.dma_semaphore, #tpu.memory_space<semaphore_mem>>
    tpu.enqueue_indirect_dma source(%dma_start3A_16 : memref<1000x128xf32, #tpu.memory_space<hbm>>) target(%dma_start3A_10 : memref<128x128xf32, #tpu.memory_space<vmem>>) offsets(%dma_start3A_13 : memref<128xi32, #tpu.memory_space<vmem>>) semaphore(%dma_start3A_18 : memref<!tpu.dma_semaphore, #tpu.memory_space<semaphore_mem>>)
    %dma_start3A_19 = arith.constant 1 : i32
    %dma_start3A_20 = arith.constant 1 : i32
    %dma_start3A_21 = arith.constant 1 : i32
    %dma_start3A_22 = arith.constant 0 : i32
    %dma_start3A_23 = arith.constant 0 : i32
    %dma_start3A_24 = tpu.memref_slice %arg6[%dma_start3A_20, %dma_start3A_22, %dma_start3A_23] : memref<4x128x128xf32, #tpu.memory_space<vmem>> -> memref<1x128x128xf32, #tpu.memory_space<vmem>>
    %dma_start3A_25 = tpu.memref_squeeze %dma_start3A_24 : memref<1x128x128xf32, #tpu.memory_space<vmem>> -> memref<128x128xf32, #tpu.memory_space<vmem>>
    %dma_start3A_26 = arith.constant 0 : i32
    %dma_start3A_27 = tpu.memref_slice %arg5[%dma_start3A_19, %dma_start3A_26] : memref<20x128xi32, #tpu.memory_space<vmem>> -> memref<1x128xi32, #tpu.memory_space<vmem>>
    %dma_start3A_28 = tpu.memref_squeeze %dma_start3A_27 : memref<1x128xi32, #tpu.memory_space<vmem>> -> memref<128xi32, #tpu.memory_space<vmem>>
    %dma_start3A_29 = arith.constant 0 : i32
    %dma_start3A_30 = arith.constant 0 : i32
    %dma_start3A_31 = tpu.memref_slice %arg2[%dma_start3A_29, %dma_start3A_30] : memref<1000x128xf32, #tpu.memory_space<hbm>> -> memref<1000x128xf32, #tpu.memory_space<hbm>>
    %dma_start3A_32 = tpu.memref_slice %arg7[%dma_start3A_21] : memref<4x!tpu.dma_semaphore, #tpu.memory_space<semaphore_mem>> -> memref<1x!tpu.dma_semaphore, #tpu.memory_space<semaphore_mem>>
    %dma_start3A_33 = tpu.memref_squeeze %dma_start3A_32 : memref<1x!tpu.dma_semaphore, #tpu.memory_space<semaphore_mem>> -> memref<!tpu.dma_semaphore, #tpu.memory_space<semaphore_mem>>
    tpu.enqueue_indirect_dma source(%dma_start3A_31 : memref<1000x128xf32, #tpu.memory_space<hbm>>) target(%dma_start3A_25 : memref<128x128xf32, #tpu.memory_space<vmem>>) offsets(%dma_start3A_28 : memref<128xi32, #tpu.memory_space<vmem>>) semaphore(%dma_start3A_33 : memref<!tpu.dma_semaphore, #tpu.memory_space<semaphore_mem>>)
    %dma_start3A_34 = arith.constant 2 : i32
    %dma_start3A_35 = arith.constant 2 : i32
    %dma_start3A_36 = arith.constant 2 : i32
    %dma_start3A_37 = arith.constant 0 : i32
    %dma_start3A_38 = arith.constant 0 : i32
    %dma_start3A_39 = tpu.memref_slice %arg6[%dma_start3A_35, %dma_start3A_37, %dma_start3A_38] : memref<4x128x128xf32, #tpu.memory_space<vmem>> -> memref<1x128x128xf32, #tpu.memory_space<vmem>>
    %dma_start3A_40 = tpu.memref_squeeze %dma_start3A_39 : memref<1x128x128xf32, #tpu.memory_space<vmem>> -> memref<128x128xf32, #tpu.memory_space<vmem>>
    %dma_start3A_41 = arith.constant 0 : i32
    %dma_start3A_42 = tpu.memref_slice %arg5[%dma_start3A_34, %dma_start3A_41] : memref<20x128xi32, #tpu.memory_space<vmem>> -> memref<1x128xi32, #tpu.memory_space<vmem>>
    %dma_start3A_43 = tpu.memref_squeeze %dma_start3A_42 : memref<1x128xi32, #tpu.memory_space<vmem>> -> memref<128xi32, #tpu.memory_space<vmem>>
    %dma_start3A_44 = arith.constant 0 : i32
    %dma_start3A_45 = arith.constant 0 : i32
    %dma_start3A_46 = tpu.memref_slice %arg2[%dma_start3A_44, %dma_start3A_45] : memref<1000x128xf32, #tpu.memory_space<hbm>> -> memref<1000x128xf32, #tpu.memory_space<hbm>>
    %dma_start3A_47 = tpu.memref_slice %arg7[%dma_start3A_36] : memref<4x!tpu.dma_semaphore, #tpu.memory_space<semaphore_mem>> -> memref<1x!tpu.dma_semaphore, #tpu.memory_space<semaphore_mem>>
    %dma_start3A_48 = tpu.memref_squeeze %dma_start3A_47 : memref<1x!tpu.dma_semaphore, #tpu.memory_space<semaphore_mem>> -> memref<!tpu.dma_semaphore, #tpu.memory_space<semaphore_mem>>
    tpu.enqueue_indirect_dma source(%dma_start3A_46 : memref<1000x128xf32, #tpu.memory_space<hbm>>) target(%dma_start3A_40 : memref<128x128xf32, #tpu.memory_space<vmem>>) offsets(%dma_start3A_43 : memref<128xi32, #tpu.memory_space<vmem>>) semaphore(%dma_start3A_48 : memref<!tpu.dma_semaphore, #tpu.memory_space<semaphore_mem>>)
    %dma_start3A_49 = arith.constant 3 : i32
    %dma_start3A_50 = arith.constant 3 : i32
    %dma_start3A_51 = arith.constant 3 : i32
    %dma_start3A_52 = arith.constant 0 : i32
    %dma_start3A_53 = arith.constant 0 : i32
    %dma_start3A_54 = tpu.memref_slice %arg6[%dma_start3A_50, %dma_start3A_52, %dma_start3A_53] : memref<4x128x128xf32, #tpu.memory_space<vmem>> -> memref<1x128x128xf32, #tpu.memory_space<vmem>>
    %dma_start3A_55 = tpu.memref_squeeze %dma_start3A_54 : memref<1x128x128xf32, #tpu.memory_space<vmem>> -> memref<128x128xf32, #tpu.memory_space<vmem>>
    %dma_start3A_56 = arith.constant 0 : i32
    %dma_start3A_57 = tpu.memref_slice %arg5[%dma_start3A_49, %dma_start3A_56] : memref<20x128xi32, #tpu.memory_space<vmem>> -> memref<1x128xi32, #tpu.memory_space<vmem>>
    %dma_start3A_58 = tpu.memref_squeeze %dma_start3A_57 : memref<1x128xi32, #tpu.memory_space<vmem>> -> memref<128xi32, #tpu.memory_space<vmem>>
    %dma_start3A_59 = arith.constant 0 : i32
    %dma_start3A_60 = arith.constant 0 : i32
    %dma_start3A_61 = tpu.memref_slice %arg2[%dma_start3A_59, %dma_start3A_60] : memref<1000x128xf32, #tpu.memory_space<hbm>> -> memref<1000x128xf32, #tpu.memory_space<hbm>>
    %dma_start3A_62 = tpu.memref_slice %arg7[%dma_start3A_51] : memref<4x!tpu.dma_semaphore, #tpu.memory_space<semaphore_mem>> -> memref<1x!tpu.dma_semaphore, #tpu.memory_space<semaphore_mem>>
    %dma_start3A_63 = tpu.memref_squeeze %dma_start3A_62 : memref<1x!tpu.dma_semaphore, #tpu.memory_space<semaphore_mem>> -> memref<!tpu.dma_semaphore, #tpu.memory_space<semaphore_mem>>
    tpu.enqueue_indirect_dma source(%dma_start3A_61 : memref<1000x128xf32, #tpu.memory_space<hbm>>) target(%dma_start3A_55 : memref<128x128xf32, #tpu.memory_space<vmem>>) offsets(%dma_start3A_58 : memref<128xi32, #tpu.memory_space<vmem>>) semaphore(%dma_start3A_63 : memref<!tpu.dma_semaphore, #tpu.memory_space<semaphore_mem>>)
    %scan3A = arith.constant 0 : i32
    %scan3A_64 = arith.constant 0 : i32
    %scan3A_65 = arith.constant 5 : i32
    %scan3A_66 = arith.addi %scan3A_64, %scan3A_65 : i32
    %scan3A_67 = arith.constant 1 : i32
    scf.for %scan3A_69 = %scan3A_64 to %scan3A_66 step %scan3A_67  : i32 {
      %mul3A_70 = arith.constant 4 : i32
      %mul3A_71 = arith.muli %scan3A_69, %mul3A_70 : i32
      %add3A_72 = arith.constant 0 : i32
      %add3A_73 = arith.addi %mul3A_71, %add3A_72 : i32
      %dma_wait3A = arith.constant 0 : i32
      %dma_wait3A_74 = arith.constant 0 : i32
      %dma_wait3A_75 = arith.constant 0 : i32
      %dma_wait3A_76 = arith.constant 0 : i32
      %dma_wait3A_77 = tpu.memref_slice %arg6[%dma_wait3A, %dma_wait3A_75, %dma_wait3A_76] : memref<4x128x128xf32, #tpu.memory_space<vmem>> -> memref<1x128x128xf32, #tpu.memory_space<vmem>>
      %dma_wait3A_78 = tpu.memref_squeeze %dma_wait3A_77 : memref<1x128x128xf32, #tpu.memory_space<vmem>> -> memref<128x128xf32, #tpu.memory_space<vmem>>
      %dma_wait3A_79 = arith.constant 0 : i32
      %dma_wait3A_80 = tpu.memref_slice %arg5[%add3A_73, %dma_wait3A_79] : memref<20x128xi32, #tpu.memory_space<vmem>> -> memref<1x128xi32, #tpu.memory_space<vmem>>
      %dma_wait3A_81 = tpu.memref_squeeze %dma_wait3A_80 : memref<1x128xi32, #tpu.memory_space<vmem>> -> memref<128xi32, #tpu.memory_space<vmem>>
      %dma_wait3A_82 = arith.constant 0 : i32
      %dma_wait3A_83 = arith.constant 0 : i32
      %dma_wait3A_84 = tpu.memref_slice %arg2[%dma_wait3A_82, %dma_wait3A_83] : memref<1000x128xf32, #tpu.memory_space<hbm>> -> memref<1000x128xf32, #tpu.memory_space<hbm>>
      %dma_wait3A_85 = tpu.memref_slice %arg7[%dma_wait3A_74] : memref<4x!tpu.dma_semaphore, #tpu.memory_space<semaphore_mem>> -> memref<1x!tpu.dma_semaphore, #tpu.memory_space<semaphore_mem>>
      %dma_wait3A_86 = tpu.memref_squeeze %dma_wait3A_85 : memref<1x!tpu.dma_semaphore, #tpu.memory_space<semaphore_mem>> -> memref<!tpu.dma_semaphore, #tpu.memory_space<semaphore_mem>>
      tpu.wait_indirect_dma semaphore(%dma_wait3A_86 : memref<!tpu.dma_semaphore, #tpu.memory_space<semaphore_mem>>) src(%dma_wait3A_84 : memref<1000x128xf32, #tpu.memory_space<hbm>>) dst(%dma_wait3A_78 : memref<128x128xf32, #tpu.memory_space<vmem>>)
      %mul3A_87 = arith.constant 128 : i32
      %mul3A_88 = arith.muli %add3A_73, %mul3A_87 : i32
      %add3A_89 = arith.addi %mul3A_4, %mul3A_88 : i32
      %run_scoped3A = arith.constant 0 : i32
      "tpu.region"() ({
        %run_scoped3A_181 = tpu.sem_alloc : memref<!tpu.dma_semaphore, #tpu.memory_space<semaphore_mem>>
        %dma_start3A_182 = arith.constant 0 : i32
        %dma_start3A_183 = arith.constant 0 : i32
        %dma_start3A_184 = tpu.memref_slice %arg6[%run_scoped3A, %dma_start3A_182, %dma_start3A_183] : memref<4x128x128xf32, #tpu.memory_space<vmem>> -> memref<1x128x128xf32, #tpu.memory_space<vmem>>
        %dma_start3A_185 = tpu.memref_squeeze %dma_start3A_184 : memref<1x128x128xf32, #tpu.memory_space<vmem>> -> memref<128x128xf32, #tpu.memory_space<vmem>>
        %dma_start3A_186 = arith.constant 0 : i32
        %dma_start3A_187 = tpu.memref_slice %arg4[%add3A_89, %dma_start3A_186] : memref<81920x128xf32, #tpu.memory_space<hbm>> -> memref<128x128xf32, #tpu.memory_space<hbm>>
        %dma_start3A_188 = arith.constant 0 : i32
        %dma_start3A_189 = tpu.memref_slice %arg4[%add3A_89, %dma_start3A_188] : memref<81920x128xf32, #tpu.memory_space<hbm>> -> memref<128x128xf32, #tpu.memory_space<hbm>>
        %dma_start3A_190 = arith.constant 0 : i32
        %dma_start3A_191 = arith.constant 0 : i32
        %dma_start3A_192 = tpu.memref_slice %arg6[%run_scoped3A, %dma_start3A_190, %dma_start3A_191] : memref<4x128x128xf32, #tpu.memory_space<vmem>> -> memref<1x128x128xf32, #tpu.memory_space<vmem>>
        %dma_start3A_193 = tpu.memref_squeeze %dma_start3A_192 : memref<1x128x128xf32, #tpu.memory_space<vmem>> -> memref<128x128xf32, #tpu.memory_space<vmem>>
        tpu.enqueue_dma source(%dma_start3A_193 : memref<128x128xf32, #tpu.memory_space<vmem>>) target(%dma_start3A_189 : memref<128x128xf32, #tpu.memory_space<hbm>>) target_semaphore(%run_scoped3A_181 : memref<!tpu.dma_semaphore, #tpu.memory_space<semaphore_mem>>)
        %dma_wait3A_194 = arith.constant 0 : i32
        %dma_wait3A_195 = arith.constant 0 : i32
        %dma_wait3A_196 = tpu.memref_slice %arg6[%run_scoped3A, %dma_wait3A_194, %dma_wait3A_195] : memref<4x128x128xf32, #tpu.memory_space<vmem>> -> memref<1x128x128xf32, #tpu.memory_space<vmem>>
        %dma_wait3A_197 = tpu.memref_squeeze %dma_wait3A_196 : memref<1x128x128xf32, #tpu.memory_space<vmem>> -> memref<128x128xf32, #tpu.memory_space<vmem>>
        %dma_wait3A_198 = arith.constant 0 : i32
        %dma_wait3A_199 = tpu.memref_slice %arg4[%add3A_89, %dma_wait3A_198] : memref<81920x128xf32, #tpu.memory_space<hbm>> -> memref<128x128xf32, #tpu.memory_space<hbm>>
        %dma_wait3A_200 = arith.constant 0 : i32
        %dma_wait3A_201 = tpu.memref_slice %arg4[%add3A_89, %dma_wait3A_200] : memref<81920x128xf32, #tpu.memory_space<hbm>> -> memref<128x128xf32, #tpu.memory_space<hbm>>
        %dma_wait3A_202 = arith.constant 0 : i32
        %dma_wait3A_203 = arith.constant 0 : i32
        %dma_wait3A_204 = tpu.memref_slice %arg6[%run_scoped3A, %dma_wait3A_202, %dma_wait3A_203] : memref<4x128x128xf32, #tpu.memory_space<vmem>> -> memref<1x128x128xf32, #tpu.memory_space<vmem>>
        %dma_wait3A_205 = tpu.memref_squeeze %dma_wait3A_204 : memref<1x128x128xf32, #tpu.memory_space<vmem>> -> memref<128x128xf32, #tpu.memory_space<vmem>>
        tpu.wait_dma2 semaphore(%run_scoped3A_181 : memref<!tpu.dma_semaphore, #tpu.memory_space<semaphore_mem>>) src(%dma_wait3A_205 : memref<128x128xf32, #tpu.memory_space<vmem>>) dst(%dma_wait3A_201 : memref<128x128xf32, #tpu.memory_space<hbm>>)
        tpu.yield
      }) : () -> ()
      %add3A_90 = arith.constant 4 : i32
      %add3A_91 = arith.addi %add3A_73, %add3A_90 : i32
      %lt3A = arith.constant 20 : i32
      %lt3A_92 = arith.cmpi slt, %add3A_91, %lt3A : i32
      %convert_element_type3A = arith.extui %lt3A_92 : i1 to i32
      %cond3A = arith.constant 0 : i32
      %cond3A_93 = arith.cmpi ne, %convert_element_type3A, %cond3A : i32
      scf.if %cond3A_93 {
        %add3A_181 = arith.constant 4 : i32
        %add3A_182 = arith.addi %add3A_73, %add3A_181 : i32
        %dma_start3A_183 = arith.constant 0 : i32
        %dma_start3A_184 = arith.constant 0 : i32
        %dma_start3A_185 = arith.constant 0 : i32
        %dma_start3A_186 = arith.constant 0 : i32
        %dma_start3A_187 = tpu.memref_slice %arg6[%dma_start3A_183, %dma_start3A_185, %dma_start3A_186] : memref<4x128x128xf32, #tpu.memory_space<vmem>> -> memref<1x128x128xf32, #tpu.memory_space<vmem>>
        %dma_start3A_188 = tpu.memref_squeeze %dma_start3A_187 : memref<1x128x128xf32, #tpu.memory_space<vmem>> -> memref<128x128xf32, #tpu.memory_space<vmem>>
        %dma_start3A_189 = arith.constant 0 : i32
        %dma_start3A_190 = tpu.memref_slice %arg5[%add3A_182, %dma_start3A_189] : memref<20x128xi32, #tpu.memory_space<vmem>> -> memref<1x128xi32, #tpu.memory_space<vmem>>
        %dma_start3A_191 = tpu.memref_squeeze %dma_start3A_190 : memref<1x128xi32, #tpu.memory_space<vmem>> -> memref<128xi32, #tpu.memory_space<vmem>>
        %dma_start3A_192 = arith.constant 0 : i32
        %dma_start3A_193 = arith.constant 0 : i32
        %dma_start3A_194 = tpu.memref_slice %arg2[%dma_start3A_192, %dma_start3A_193] : memref<1000x128xf32, #tpu.memory_space<hbm>> -> memref<1000x128xf32, #tpu.memory_space<hbm>>
        %dma_start3A_195 = tpu.memref_slice %arg7[%dma_start3A_184] : memref<4x!tpu.dma_semaphore, #tpu.memory_space<semaphore_mem>> -> memref<1x!tpu.dma_semaphore, #tpu.memory_space<semaphore_mem>>
        %dma_start3A_196 = tpu.memref_squeeze %dma_start3A_195 : memref<1x!tpu.dma_semaphore, #tpu.memory_space<semaphore_mem>> -> memref<!tpu.dma_semaphore, #tpu.memory_space<semaphore_mem>>
        tpu.enqueue_indirect_dma source(%dma_start3A_194 : memref<1000x128xf32, #tpu.memory_space<hbm>>) target(%dma_start3A_188 : memref<128x128xf32, #tpu.memory_space<vmem>>) offsets(%dma_start3A_191 : memref<128xi32, #tpu.memory_space<vmem>>) semaphore(%dma_start3A_196 : memref<!tpu.dma_semaphore, #tpu.memory_space<semaphore_mem>>)
      } else {
      }
      %mul3A_94 = arith.constant 4 : i32
      %mul3A_95 = arith.muli %scan3A_69, %mul3A_94 : i32
      %add3A_96 = arith.constant 1 : i32
      %add3A_97 = arith.addi %mul3A_95, %add3A_96 : i32
      %dma_wait3A_98 = arith.constant 1 : i32
      %dma_wait3A_99 = arith.constant 1 : i32
      %dma_wait3A_100 = arith.constant 0 : i32
      %dma_wait3A_101 = arith.constant 0 : i32
      %dma_wait3A_102 = tpu.memref_slice %arg6[%dma_wait3A_98, %dma_wait3A_100, %dma_wait3A_101] : memref<4x128x128xf32, #tpu.memory_space<vmem>> -> memref<1x128x128xf32, #tpu.memory_space<vmem>>
      %dma_wait3A_103 = tpu.memref_squeeze %dma_wait3A_102 : memref<1x128x128xf32, #tpu.memory_space<vmem>> -> memref<128x128xf32, #tpu.memory_space<vmem>>
      %dma_wait3A_104 = arith.constant 0 : i32
      %dma_wait3A_105 = tpu.memref_slice %arg5[%add3A_97, %dma_wait3A_104] : memref<20x128xi32, #tpu.memory_space<vmem>> -> memref<1x128xi32, #tpu.memory_space<vmem>>
      %dma_wait3A_106 = tpu.memref_squeeze %dma_wait3A_105 : memref<1x128xi32, #tpu.memory_space<vmem>> -> memref<128xi32, #tpu.memory_space<vmem>>
      %dma_wait3A_107 = arith.constant 0 : i32
      %dma_wait3A_108 = arith.constant 0 : i32
      %dma_wait3A_109 = tpu.memref_slice %arg2[%dma_wait3A_107, %dma_wait3A_108] : memref<1000x128xf32, #tpu.memory_space<hbm>> -> memref<1000x128xf32, #tpu.memory_space<hbm>>
      %dma_wait3A_110 = tpu.memref_slice %arg7[%dma_wait3A_99] : memref<4x!tpu.dma_semaphore, #tpu.memory_space<semaphore_mem>> -> memref<1x!tpu.dma_semaphore, #tpu.memory_space<semaphore_mem>>
      %dma_wait3A_111 = tpu.memref_squeeze %dma_wait3A_110 : memref<1x!tpu.dma_semaphore, #tpu.memory_space<semaphore_mem>> -> memref<!tpu.dma_semaphore, #tpu.memory_space<semaphore_mem>>
      tpu.wait_indirect_dma semaphore(%dma_wait3A_111 : memref<!tpu.dma_semaphore, #tpu.memory_space<semaphore_mem>>) src(%dma_wait3A_109 : memref<1000x128xf32, #tpu.memory_space<hbm>>) dst(%dma_wait3A_103 : memref<128x128xf32, #tpu.memory_space<vmem>>)
      %mul3A_112 = arith.constant 128 : i32
      %mul3A_113 = arith.muli %add3A_97, %mul3A_112 : i32
      %add3A_114 = arith.addi %mul3A_4, %mul3A_113 : i32
      %run_scoped3A_115 = arith.constant 1 : i32
      "tpu.region"() ({
        %run_scoped3A_181 = tpu.sem_alloc : memref<!tpu.dma_semaphore, #tpu.memory_space<semaphore_mem>>
        %dma_start3A_182 = arith.constant 0 : i32
        %dma_start3A_183 = arith.constant 0 : i32
        %dma_start3A_184 = tpu.memref_slice %arg6[%run_scoped3A_115, %dma_start3A_182, %dma_start3A_183] : memref<4x128x128xf32, #tpu.memory_space<vmem>> -> memref<1x128x128xf32, #tpu.memory_space<vmem>>
        %dma_start3A_185 = tpu.memref_squeeze %dma_start3A_184 : memref<1x128x128xf32, #tpu.memory_space<vmem>> -> memref<128x128xf32, #tpu.memory_space<vmem>>
        %dma_start3A_186 = arith.constant 0 : i32
        %dma_start3A_187 = tpu.memref_slice %arg4[%add3A_114, %dma_start3A_186] : memref<81920x128xf32, #tpu.memory_space<hbm>> -> memref<128x128xf32, #tpu.memory_space<hbm>>
        %dma_start3A_188 = arith.constant 0 : i32
        %dma_start3A_189 = tpu.memref_slice %arg4[%add3A_114, %dma_start3A_188] : memref<81920x128xf32, #tpu.memory_space<hbm>> -> memref<128x128xf32, #tpu.memory_space<hbm>>
        %dma_start3A_190 = arith.constant 0 : i32
        %dma_start3A_191 = arith.constant 0 : i32
        %dma_start3A_192 = tpu.memref_slice %arg6[%run_scoped3A_115, %dma_start3A_190, %dma_start3A_191] : memref<4x128x128xf32, #tpu.memory_space<vmem>> -> memref<1x128x128xf32, #tpu.memory_space<vmem>>
        %dma_start3A_193 = tpu.memref_squeeze %dma_start3A_192 : memref<1x128x128xf32, #tpu.memory_space<vmem>> -> memref<128x128xf32, #tpu.memory_space<vmem>>
        tpu.enqueue_dma source(%dma_start3A_193 : memref<128x128xf32, #tpu.memory_space<vmem>>) target(%dma_start3A_189 : memref<128x128xf32, #tpu.memory_space<hbm>>) target_semaphore(%run_scoped3A_181 : memref<!tpu.dma_semaphore, #tpu.memory_space<semaphore_mem>>)
        %dma_wait3A_194 = arith.constant 0 : i32
        %dma_wait3A_195 = arith.constant 0 : i32
        %dma_wait3A_196 = tpu.memref_slice %arg6[%run_scoped3A_115, %dma_wait3A_194, %dma_wait3A_195] : memref<4x128x128xf32, #tpu.memory_space<vmem>> -> memref<1x128x128xf32, #tpu.memory_space<vmem>>
        %dma_wait3A_197 = tpu.memref_squeeze %dma_wait3A_196 : memref<1x128x128xf32, #tpu.memory_space<vmem>> -> memref<128x128xf32, #tpu.memory_space<vmem>>
        %dma_wait3A_198 = arith.constant 0 : i32
        %dma_wait3A_199 = tpu.memref_slice %arg4[%add3A_114, %dma_wait3A_198] : memref<81920x128xf32, #tpu.memory_space<hbm>> -> memref<128x128xf32, #tpu.memory_space<hbm>>
        %dma_wait3A_200 = arith.constant 0 : i32
        %dma_wait3A_201 = tpu.memref_slice %arg4[%add3A_114, %dma_wait3A_200] : memref<81920x128xf32, #tpu.memory_space<hbm>> -> memref<128x128xf32, #tpu.memory_space<hbm>>
        %dma_wait3A_202 = arith.constant 0 : i32
        %dma_wait3A_203 = arith.constant 0 : i32
        %dma_wait3A_204 = tpu.memref_slice %arg6[%run_scoped3A_115, %dma_wait3A_202, %dma_wait3A_203] : memref<4x128x128xf32, #tpu.memory_space<vmem>> -> memref<1x128x128xf32, #tpu.memory_space<vmem>>
        %dma_wait3A_205 = tpu.memref_squeeze %dma_wait3A_204 : memref<1x128x128xf32, #tpu.memory_space<vmem>> -> memref<128x128xf32, #tpu.memory_space<vmem>>
        tpu.wait_dma2 semaphore(%run_scoped3A_181 : memref<!tpu.dma_semaphore, #tpu.memory_space<semaphore_mem>>) src(%dma_wait3A_205 : memref<128x128xf32, #tpu.memory_space<vmem>>) dst(%dma_wait3A_201 : memref<128x128xf32, #tpu.memory_space<hbm>>)
        tpu.yield
      }) : () -> ()
      %add3A_116 = arith.constant 4 : i32
      %add3A_117 = arith.addi %add3A_97, %add3A_116 : i32
      %lt3A_118 = arith.constant 20 : i32
      %lt3A_119 = arith.cmpi slt, %add3A_117, %lt3A_118 : i32
      %convert_element_type3A_120 = arith.extui %lt3A_119 : i1 to i32
      %cond3A_121 = arith.constant 0 : i32
      %cond3A_122 = arith.cmpi ne, %convert_element_type3A_120, %cond3A_121 : i32
      scf.if %cond3A_122 {
        %add3A_181 = arith.constant 4 : i32
        %add3A_182 = arith.addi %add3A_97, %add3A_181 : i32
        %dma_start3A_183 = arith.constant 1 : i32
        %dma_start3A_184 = arith.constant 1 : i32
        %dma_start3A_185 = arith.constant 0 : i32
        %dma_start3A_186 = arith.constant 0 : i32
        %dma_start3A_187 = tpu.memref_slice %arg6[%dma_start3A_183, %dma_start3A_185, %dma_start3A_186] : memref<4x128x128xf32, #tpu.memory_space<vmem>> -> memref<1x128x128xf32, #tpu.memory_space<vmem>>
        %dma_start3A_188 = tpu.memref_squeeze %dma_start3A_187 : memref<1x128x128xf32, #tpu.memory_space<vmem>> -> memref<128x128xf32, #tpu.memory_space<vmem>>
        %dma_start3A_189 = arith.constant 0 : i32
        %dma_start3A_190 = tpu.memref_slice %arg5[%add3A_182, %dma_start3A_189] : memref<20x128xi32, #tpu.memory_space<vmem>> -> memref<1x128xi32, #tpu.memory_space<vmem>>
        %dma_start3A_191 = tpu.memref_squeeze %dma_start3A_190 : memref<1x128xi32, #tpu.memory_space<vmem>> -> memref<128xi32, #tpu.memory_space<vmem>>
        %dma_start3A_192 = arith.constant 0 : i32
        %dma_start3A_193 = arith.constant 0 : i32
        %dma_start3A_194 = tpu.memref_slice %arg2[%dma_start3A_192, %dma_start3A_193] : memref<1000x128xf32, #tpu.memory_space<hbm>> -> memref<1000x128xf32, #tpu.memory_space<hbm>>
        %dma_start3A_195 = tpu.memref_slice %arg7[%dma_start3A_184] : memref<4x!tpu.dma_semaphore, #tpu.memory_space<semaphore_mem>> -> memref<1x!tpu.dma_semaphore, #tpu.memory_space<semaphore_mem>>
        %dma_start3A_196 = tpu.memref_squeeze %dma_start3A_195 : memref<1x!tpu.dma_semaphore, #tpu.memory_space<semaphore_mem>> -> memref<!tpu.dma_semaphore, #tpu.memory_space<semaphore_mem>>
        tpu.enqueue_indirect_dma source(%dma_start3A_194 : memref<1000x128xf32, #tpu.memory_space<hbm>>) target(%dma_start3A_188 : memref<128x128xf32, #tpu.memory_space<vmem>>) offsets(%dma_start3A_191 : memref<128xi32, #tpu.memory_space<vmem>>) semaphore(%dma_start3A_196 : memref<!tpu.dma_semaphore, #tpu.memory_space<semaphore_mem>>)
      } else {
      }
      %mul3A_123 = arith.constant 4 : i32
      %mul3A_124 = arith.muli %scan3A_69, %mul3A_123 : i32
      %add3A_125 = arith.constant 2 : i32
      %add3A_126 = arith.addi %mul3A_124, %add3A_125 : i32
      %dma_wait3A_127 = arith.constant 2 : i32
      %dma_wait3A_128 = arith.constant 2 : i32
      %dma_wait3A_129 = arith.constant 0 : i32
      %dma_wait3A_130 = arith.constant 0 : i32
      %dma_wait3A_131 = tpu.memref_slice %arg6[%dma_wait3A_127, %dma_wait3A_129, %dma_wait3A_130] : memref<4x128x128xf32, #tpu.memory_space<vmem>> -> memref<1x128x128xf32, #tpu.memory_space<vmem>>
      %dma_wait3A_132 = tpu.memref_squeeze %dma_wait3A_131 : memref<1x128x128xf32, #tpu.memory_space<vmem>> -> memref<128x128xf32, #tpu.memory_space<vmem>>
      %dma_wait3A_133 = arith.constant 0 : i32
      %dma_wait3A_134 = tpu.memref_slice %arg5[%add3A_126, %dma_wait3A_133] : memref<20x128xi32, #tpu.memory_space<vmem>> -> memref<1x128xi32, #tpu.memory_space<vmem>>
      %dma_wait3A_135 = tpu.memref_squeeze %dma_wait3A_134 : memref<1x128xi32, #tpu.memory_space<vmem>> -> memref<128xi32, #tpu.memory_space<vmem>>
      %dma_wait3A_136 = arith.constant 0 : i32
      %dma_wait3A_137 = arith.constant 0 : i32
      %dma_wait3A_138 = tpu.memref_slice %arg2[%dma_wait3A_136, %dma_wait3A_137] : memref<1000x128xf32, #tpu.memory_space<hbm>> -> memref<1000x128xf32, #tpu.memory_space<hbm>>
      %dma_wait3A_139 = tpu.memref_slice %arg7[%dma_wait3A_128] : memref<4x!tpu.dma_semaphore, #tpu.memory_space<semaphore_mem>> -> memref<1x!tpu.dma_semaphore, #tpu.memory_space<semaphore_mem>>
      %dma_wait3A_140 = tpu.memref_squeeze %dma_wait3A_139 : memref<1x!tpu.dma_semaphore, #tpu.memory_space<semaphore_mem>> -> memref<!tpu.dma_semaphore, #tpu.memory_space<semaphore_mem>>
      tpu.wait_indirect_dma semaphore(%dma_wait3A_140 : memref<!tpu.dma_semaphore, #tpu.memory_space<semaphore_mem>>) src(%dma_wait3A_138 : memref<1000x128xf32, #tpu.memory_space<hbm>>) dst(%dma_wait3A_132 : memref<128x128xf32, #tpu.memory_space<vmem>>)
      %mul3A_141 = arith.constant 128 : i32
      %mul3A_142 = arith.muli %add3A_126, %mul3A_141 : i32
      %add3A_143 = arith.addi %mul3A_4, %mul3A_142 : i32
      %run_scoped3A_144 = arith.constant 2 : i32
      "tpu.region"() ({
        %run_scoped3A_181 = tpu.sem_alloc : memref<!tpu.dma_semaphore, #tpu.memory_space<semaphore_mem>>
        %dma_start3A_182 = arith.constant 0 : i32
        %dma_start3A_183 = arith.constant 0 : i32
        %dma_start3A_184 = tpu.memref_slice %arg6[%run_scoped3A_144, %dma_start3A_182, %dma_start3A_183] : memref<4x128x128xf32, #tpu.memory_space<vmem>> -> memref<1x128x128xf32, #tpu.memory_space<vmem>>
        %dma_start3A_185 = tpu.memref_squeeze %dma_start3A_184 : memref<1x128x128xf32, #tpu.memory_space<vmem>> -> memref<128x128xf32, #tpu.memory_space<vmem>>
        %dma_start3A_186 = arith.constant 0 : i32
        %dma_start3A_187 = tpu.memref_slice %arg4[%add3A_143, %dma_start3A_186] : memref<81920x128xf32, #tpu.memory_space<hbm>> -> memref<128x128xf32, #tpu.memory_space<hbm>>
        %dma_start3A_188 = arith.constant 0 : i32
        %dma_start3A_189 = tpu.memref_slice %arg4[%add3A_143, %dma_start3A_188] : memref<81920x128xf32, #tpu.memory_space<hbm>> -> memref<128x128xf32, #tpu.memory_space<hbm>>
        %dma_start3A_190 = arith.constant 0 : i32
        %dma_start3A_191 = arith.constant 0 : i32
        %dma_start3A_192 = tpu.memref_slice %arg6[%run_scoped3A_144, %dma_start3A_190, %dma_start3A_191] : memref<4x128x128xf32, #tpu.memory_space<vmem>> -> memref<1x128x128xf32, #tpu.memory_space<vmem>>
        %dma_start3A_193 = tpu.memref_squeeze %dma_start3A_192 : memref<1x128x128xf32, #tpu.memory_space<vmem>> -> memref<128x128xf32, #tpu.memory_space<vmem>>
        tpu.enqueue_dma source(%dma_start3A_193 : memref<128x128xf32, #tpu.memory_space<vmem>>) target(%dma_start3A_189 : memref<128x128xf32, #tpu.memory_space<hbm>>) target_semaphore(%run_scoped3A_181 : memref<!tpu.dma_semaphore, #tpu.memory_space<semaphore_mem>>)
        %dma_wait3A_194 = arith.constant 0 : i32
        %dma_wait3A_195 = arith.constant 0 : i32
        %dma_wait3A_196 = tpu.memref_slice %arg6[%run_scoped3A_144, %dma_wait3A_194, %dma_wait3A_195] : memref<4x128x128xf32, #tpu.memory_space<vmem>> -> memref<1x128x128xf32, #tpu.memory_space<vmem>>
        %dma_wait3A_197 = tpu.memref_squeeze %dma_wait3A_196 : memref<1x128x128xf32, #tpu.memory_space<vmem>> -> memref<128x128xf32, #tpu.memory_space<vmem>>
        %dma_wait3A_198 = arith.constant 0 : i32
        %dma_wait3A_199 = tpu.memref_slice %arg4[%add3A_143, %dma_wait3A_198] : memref<81920x128xf32, #tpu.memory_space<hbm>> -> memref<128x128xf32, #tpu.memory_space<hbm>>
        %dma_wait3A_200 = arith.constant 0 : i32
        %dma_wait3A_201 = tpu.memref_slice %arg4[%add3A_143, %dma_wait3A_200] : memref<81920x128xf32, #tpu.memory_space<hbm>> -> memref<128x128xf32, #tpu.memory_space<hbm>>
        %dma_wait3A_202 = arith.constant 0 : i32
        %dma_wait3A_203 = arith.constant 0 : i32
        %dma_wait3A_204 = tpu.memref_slice %arg6[%run_scoped3A_144, %dma_wait3A_202, %dma_wait3A_203] : memref<4x128x128xf32, #tpu.memory_space<vmem>> -> memref<1x128x128xf32, #tpu.memory_space<vmem>>
        %dma_wait3A_205 = tpu.memref_squeeze %dma_wait3A_204 : memref<1x128x128xf32, #tpu.memory_space<vmem>> -> memref<128x128xf32, #tpu.memory_space<vmem>>
        tpu.wait_dma2 semaphore(%run_scoped3A_181 : memref<!tpu.dma_semaphore, #tpu.memory_space<semaphore_mem>>) src(%dma_wait3A_205 : memref<128x128xf32, #tpu.memory_space<vmem>>) dst(%dma_wait3A_201 : memref<128x128xf32, #tpu.memory_space<hbm>>)
        tpu.yield
      }) : () -> ()
      %add3A_145 = arith.constant 4 : i32
      %add3A_146 = arith.addi %add3A_126, %add3A_145 : i32
      %lt3A_147 = arith.constant 20 : i32
      %lt3A_148 = arith.cmpi slt, %add3A_146, %lt3A_147 : i32
      %convert_element_type3A_149 = arith.extui %lt3A_148 : i1 to i32
      %cond3A_150 = arith.constant 0 : i32
      %cond3A_151 = arith.cmpi ne, %convert_element_type3A_149, %cond3A_150 : i32
      scf.if %cond3A_151 {
        %add3A_181 = arith.constant 4 : i32
        %add3A_182 = arith.addi %add3A_126, %add3A_181 : i32
        %dma_start3A_183 = arith.constant 2 : i32
        %dma_start3A_184 = arith.constant 2 : i32
        %dma_start3A_185 = arith.constant 0 : i32
        %dma_start3A_186 = arith.constant 0 : i32
        %dma_start3A_187 = tpu.memref_slice %arg6[%dma_start3A_183, %dma_start3A_185, %dma_start3A_186] : memref<4x128x128xf32, #tpu.memory_space<vmem>> -> memref<1x128x128xf32, #tpu.memory_space<vmem>>
        %dma_start3A_188 = tpu.memref_squeeze %dma_start3A_187 : memref<1x128x128xf32, #tpu.memory_space<vmem>> -> memref<128x128xf32, #tpu.memory_space<vmem>>
        %dma_start3A_189 = arith.constant 0 : i32
        %dma_start3A_190 = tpu.memref_slice %arg5[%add3A_182, %dma_start3A_189] : memref<20x128xi32, #tpu.memory_space<vmem>> -> memref<1x128xi32, #tpu.memory_space<vmem>>
        %dma_start3A_191 = tpu.memref_squeeze %dma_start3A_190 : memref<1x128xi32, #tpu.memory_space<vmem>> -> memref<128xi32, #tpu.memory_space<vmem>>
        %dma_start3A_192 = arith.constant 0 : i32
        %dma_start3A_193 = arith.constant 0 : i32
        %dma_start3A_194 = tpu.memref_slice %arg2[%dma_start3A_192, %dma_start3A_193] : memref<1000x128xf32, #tpu.memory_space<hbm>> -> memref<1000x128xf32, #tpu.memory_space<hbm>>
        %dma_start3A_195 = tpu.memref_slice %arg7[%dma_start3A_184] : memref<4x!tpu.dma_semaphore, #tpu.memory_space<semaphore_mem>> -> memref<1x!tpu.dma_semaphore, #tpu.memory_space<semaphore_mem>>
        %dma_start3A_196 = tpu.memref_squeeze %dma_start3A_195 : memref<1x!tpu.dma_semaphore, #tpu.memory_space<semaphore_mem>> -> memref<!tpu.dma_semaphore, #tpu.memory_space<semaphore_mem>>
        tpu.enqueue_indirect_dma source(%dma_start3A_194 : memref<1000x128xf32, #tpu.memory_space<hbm>>) target(%dma_start3A_188 : memref<128x128xf32, #tpu.memory_space<vmem>>) offsets(%dma_start3A_191 : memref<128xi32, #tpu.memory_space<vmem>>) semaphore(%dma_start3A_196 : memref<!tpu.dma_semaphore, #tpu.memory_space<semaphore_mem>>)
      } else {
      }
      %mul3A_152 = arith.constant 4 : i32
      %mul3A_153 = arith.muli %scan3A_69, %mul3A_152 : i32
      %add3A_154 = arith.constant 3 : i32
      %add3A_155 = arith.addi %mul3A_153, %add3A_154 : i32
      %dma_wait3A_156 = arith.constant 3 : i32
      %dma_wait3A_157 = arith.constant 3 : i32
      %dma_wait3A_158 = arith.constant 0 : i32
      %dma_wait3A_159 = arith.constant 0 : i32
      %dma_wait3A_160 = tpu.memref_slice %arg6[%dma_wait3A_156, %dma_wait3A_158, %dma_wait3A_159] : memref<4x128x128xf32, #tpu.memory_space<vmem>> -> memref<1x128x128xf32, #tpu.memory_space<vmem>>
      %dma_wait3A_161 = tpu.memref_squeeze %dma_wait3A_160 : memref<1x128x128xf32, #tpu.memory_space<vmem>> -> memref<128x128xf32, #tpu.memory_space<vmem>>
      %dma_wait3A_162 = arith.constant 0 : i32
      %dma_wait3A_163 = tpu.memref_slice %arg5[%add3A_155, %dma_wait3A_162] : memref<20x128xi32, #tpu.memory_space<vmem>> -> memref<1x128xi32, #tpu.memory_space<vmem>>
      %dma_wait3A_164 = tpu.memref_squeeze %dma_wait3A_163 : memref<1x128xi32, #tpu.memory_space<vmem>> -> memref<128xi32, #tpu.memory_space<vmem>>
      %dma_wait3A_165 = arith.constant 0 : i32
      %dma_wait3A_166 = arith.constant 0 : i32
      %dma_wait3A_167 = tpu.memref_slice %arg2[%dma_wait3A_165, %dma_wait3A_166] : memref<1000x128xf32, #tpu.memory_space<hbm>> -> memref<1000x128xf32, #tpu.memory_space<hbm>>
      %dma_wait3A_168 = tpu.memref_slice %arg7[%dma_wait3A_157] : memref<4x!tpu.dma_semaphore, #tpu.memory_space<semaphore_mem>> -> memref<1x!tpu.dma_semaphore, #tpu.memory_space<semaphore_mem>>
      %dma_wait3A_169 = tpu.memref_squeeze %dma_wait3A_168 : memref<1x!tpu.dma_semaphore, #tpu.memory_space<semaphore_mem>> -> memref<!tpu.dma_semaphore, #tpu.memory_space<semaphore_mem>>
      tpu.wait_indirect_dma semaphore(%dma_wait3A_169 : memref<!tpu.dma_semaphore, #tpu.memory_space<semaphore_mem>>) src(%dma_wait3A_167 : memref<1000x128xf32, #tpu.memory_space<hbm>>) dst(%dma_wait3A_161 : memref<128x128xf32, #tpu.memory_space<vmem>>)
      %mul3A_170 = arith.constant 128 : i32
      %mul3A_171 = arith.muli %add3A_155, %mul3A_170 : i32
      %add3A_172 = arith.addi %mul3A_4, %mul3A_171 : i32
      %run_scoped3A_173 = arith.constant 3 : i32
      "tpu.region"() ({
        %run_scoped3A_181 = tpu.sem_alloc : memref<!tpu.dma_semaphore, #tpu.memory_space<semaphore_mem>>
        %dma_start3A_182 = arith.constant 0 : i32
        %dma_start3A_183 = arith.constant 0 : i32
        %dma_start3A_184 = tpu.memref_slice %arg6[%run_scoped3A_173, %dma_start3A_182, %dma_start3A_183] : memref<4x128x128xf32, #tpu.memory_space<vmem>> -> memref<1x128x128xf32, #tpu.memory_space<vmem>>
        %dma_start3A_185 = tpu.memref_squeeze %dma_start3A_184 : memref<1x128x128xf32, #tpu.memory_space<vmem>> -> memref<128x128xf32, #tpu.memory_space<vmem>>
        %dma_start3A_186 = arith.constant 0 : i32
        %dma_start3A_187 = tpu.memref_slice %arg4[%add3A_172, %dma_start3A_186] : memref<81920x128xf32, #tpu.memory_space<hbm>> -> memref<128x128xf32, #tpu.memory_space<hbm>>
        %dma_start3A_188 = arith.constant 0 : i32
        %dma_start3A_189 = tpu.memref_slice %arg4[%add3A_172, %dma_start3A_188] : memref<81920x128xf32, #tpu.memory_space<hbm>> -> memref<128x128xf32, #tpu.memory_space<hbm>>
        %dma_start3A_190 = arith.constant 0 : i32
        %dma_start3A_191 = arith.constant 0 : i32
        %dma_start3A_192 = tpu.memref_slice %arg6[%run_scoped3A_173, %dma_start3A_190, %dma_start3A_191] : memref<4x128x128xf32, #tpu.memory_space<vmem>> -> memref<1x128x128xf32, #tpu.memory_space<vmem>>
        %dma_start3A_193 = tpu.memref_squeeze %dma_start3A_192 : memref<1x128x128xf32, #tpu.memory_space<vmem>> -> memref<128x128xf32, #tpu.memory_space<vmem>>
        tpu.enqueue_dma source(%dma_start3A_193 : memref<128x128xf32, #tpu.memory_space<vmem>>) target(%dma_start3A_189 : memref<128x128xf32, #tpu.memory_space<hbm>>) target_semaphore(%run_scoped3A_181 : memref<!tpu.dma_semaphore, #tpu.memory_space<semaphore_mem>>)
        %dma_wait3A_194 = arith.constant 0 : i32
        %dma_wait3A_195 = arith.constant 0 : i32
        %dma_wait3A_196 = tpu.memref_slice %arg6[%run_scoped3A_173, %dma_wait3A_194, %dma_wait3A_195] : memref<4x128x128xf32, #tpu.memory_space<vmem>> -> memref<1x128x128xf32, #tpu.memory_space<vmem>>
        %dma_wait3A_197 = tpu.memref_squeeze %dma_wait3A_196 : memref<1x128x128xf32, #tpu.memory_space<vmem>> -> memref<128x128xf32, #tpu.memory_space<vmem>>
        %dma_wait3A_198 = arith.constant 0 : i32
        %dma_wait3A_199 = tpu.memref_slice %arg4[%add3A_172, %dma_wait3A_198] : memref<81920x128xf32, #tpu.memory_space<hbm>> -> memref<128x128xf32, #tpu.memory_space<hbm>>
        %dma_wait3A_200 = arith.constant 0 : i32
        %dma_wait3A_201 = tpu.memref_slice %arg4[%add3A_172, %dma_wait3A_200] : memref<81920x128xf32, #tpu.memory_space<hbm>> -> memref<128x128xf32, #tpu.memory_space<hbm>>
        %dma_wait3A_202 = arith.constant 0 : i32
        %dma_wait3A_203 = arith.constant 0 : i32
        %dma_wait3A_204 = tpu.memref_slice %arg6[%run_scoped3A_173, %dma_wait3A_202, %dma_wait3A_203] : memref<4x128x128xf32, #tpu.memory_space<vmem>> -> memref<1x128x128xf32, #tpu.memory_space<vmem>>
        %dma_wait3A_205 = tpu.memref_squeeze %dma_wait3A_204 : memref<1x128x128xf32, #tpu.memory_space<vmem>> -> memref<128x128xf32, #tpu.memory_space<vmem>>
        tpu.wait_dma2 semaphore(%run_scoped3A_181 : memref<!tpu.dma_semaphore, #tpu.memory_space<semaphore_mem>>) src(%dma_wait3A_205 : memref<128x128xf32, #tpu.memory_space<vmem>>) dst(%dma_wait3A_201 : memref<128x128xf32, #tpu.memory_space<hbm>>)
        tpu.yield
      }) : () -> ()
      %add3A_174 = arith.constant 4 : i32
      %add3A_175 = arith.addi %add3A_155, %add3A_174 : i32
      %lt3A_176 = arith.constant 20 : i32
      %lt3A_177 = arith.cmpi slt, %add3A_175, %lt3A_176 : i32
      %convert_element_type3A_178 = arith.extui %lt3A_177 : i1 to i32
      %cond3A_179 = arith.constant 0 : i32
      %cond3A_180 = arith.cmpi ne, %convert_element_type3A_178, %cond3A_179 : i32
      scf.if %cond3A_180 {
        %add3A_181 = arith.constant 4 : i32
        %add3A_182 = arith.addi %add3A_155, %add3A_181 : i32
        %dma_start3A_183 = arith.constant 3 : i32
        %dma_start3A_184 = arith.constant 3 : i32
        %dma_start3A_185 = arith.constant 0 : i32
        %dma_start3A_186 = arith.constant 0 : i32
        %dma_start3A_187 = tpu.memref_slice %arg6[%dma_start3A_183, %dma_start3A_185, %dma_start3A_186] : memref<4x128x128xf32, #tpu.memory_space<vmem>> -> memref<1x128x128xf32, #tpu.memory_space<vmem>>
        %dma_start3A_188 = tpu.memref_squeeze %dma_start3A_187 : memref<1x128x128xf32, #tpu.memory_space<vmem>> -> memref<128x128xf32, #tpu.memory_space<vmem>>
        %dma_start3A_189 = arith.constant 0 : i32
        %dma_start3A_190 = tpu.memref_slice %arg5[%add3A_182, %dma_start3A_189] : memref<20x128xi32, #tpu.memory_space<vmem>> -> memref<1x128xi32, #tpu.memory_space<vmem>>
        %dma_start3A_191 = tpu.memref_squeeze %dma_start3A_190 : memref<1x128xi32, #tpu.memory_space<vmem>> -> memref<128xi32, #tpu.memory_space<vmem>>
        %dma_start3A_192 = arith.constant 0 : i32
        %dma_start3A_193 = arith.constant 0 : i32
        %dma_start3A_194 = tpu.memref_slice %arg2[%dma_start3A_192, %dma_start3A_193] : memref<1000x128xf32, #tpu.memory_space<hbm>> -> memref<1000x128xf32, #tpu.memory_space<hbm>>
        %dma_start3A_195 = tpu.memref_slice %arg7[%dma_start3A_184] : memref<4x!tpu.dma_semaphore, #tpu.memory_space<semaphore_mem>> -> memref<1x!tpu.dma_semaphore, #tpu.memory_space<semaphore_mem>>
        %dma_start3A_196 = tpu.memref_squeeze %dma_start3A_195 : memref<1x!tpu.dma_semaphore, #tpu.memory_space<semaphore_mem>> -> memref<!tpu.dma_semaphore, #tpu.memory_space<semaphore_mem>>
        tpu.enqueue_indirect_dma source(%dma_start3A_194 : memref<1000x128xf32, #tpu.memory_space<hbm>>) target(%dma_start3A_188 : memref<128x128xf32, #tpu.memory_space<vmem>>) offsets(%dma_start3A_191 : memref<128xi32, #tpu.memory_space<vmem>>) semaphore(%dma_start3A_196 : memref<!tpu.dma_semaphore, #tpu.memory_space<semaphore_mem>>)
      } else {
      }
    }
    %scan3A_68 = arith.constant 5 : i32
    return
  }
}

module attributes {stable_mosaic.version = 14 : i64} {
  func.func @_mm_body(%arg0: i32, %arg1: memref<1000x128xf32, #tpu.memory_space<vmem>>, %arg2: memref<4096x128xf32, #tpu.memory_space<vmem>>, %arg3: memref<1000x1xf32, #tpu.memory_space<vmem>>, %arg4: memref<1x1000x4096xf32, #tpu.memory_space<vmem>>) attributes {dimension_semantics = [#tpu.dimension_semantics<arbitrary>], iteration_bounds = array<i64: 20>, scalar_prefetch = 0 : i64, scratch_operands = 0 : i64, tpu.core_type = #tpu.core_type<tc>, window_params = [{pipeline_mode = #tpu.pipeline_mode<synchronous>, transform_indices = @transform_0, window_bounds = array<i64: 1000, 128>}, {transform_indices = @transform_1, window_bounds = array<i64: 4096, 128>}, {pipeline_mode = #tpu.pipeline_mode<synchronous>, transform_indices = @transform_2, window_bounds = array<i64: 1000, 1>}, {transform_indices = @transform_3, window_bounds = array<i64: 1, 1000, 4096>}]} {
    %get3A = arith.constant 0 : index
    %get3A_0 = arith.constant 0 : index
    %get3A_1 = vector.load %arg1[%get3A, %get3A_0] : memref<1000x128xf32, #tpu.memory_space<vmem>>, vector<1000x128xf32>
    %get3A_2 = arith.constant 0 : index
    %get3A_3 = arith.constant 0 : index
    %get3A_4 = vector.load %arg2[%get3A_2, %get3A_3] : memref<4096x128xf32, #tpu.memory_space<vmem>>, vector<4096x128xf32>
    %dot_general3A = arith.constant dense<0.000000e+00> : vector<1000x4096xf32>
    %dot_general3A_5 = tpu.matmul %get3A_1, %get3A_4, %dot_general3A {dimension_numbers = #tpu.dot_dimension_numbers<[1], [1], [0], [0], [0, 0, 1, 0], [], []>, transpose_lhs_hint = false} : vector<1000x128xf32>, vector<4096x128xf32>, vector<1000x4096xf32> -> vector<1000x4096xf32>
    %get3A_6 = arith.constant 0 : index
    %get3A_7 = arith.constant 0 : index
    %get3A_8 = vector.load %arg3[%get3A_6, %get3A_7] : memref<1000x1xf32, #tpu.memory_space<vmem>>, vector<1000x1xf32>
    %add3A = vector.broadcast %get3A_8 : vector<1000x1xf32> to vector<1000x4096xf32>
    %add3A_9 = arith.addf %dot_general3A_5, %add3A : vector<1000x4096xf32>
    %broadcast_in_dim3A = vector.shape_cast %add3A_9 : vector<1000x4096xf32> to vector<1x1000x4096xf32>
    %swap3A = arith.constant 0 : index
    %swap3A_10 = arith.constant 0 : index
    %swap3A_11 = arith.constant 0 : index
    %swap3A_12 = vector.load %arg4[%swap3A, %swap3A_10, %swap3A_11] : memref<1x1000x4096xf32, #tpu.memory_space<vmem>>, vector<1x1000x4096xf32>
    tpu.vector_store %arg4[%swap3A, %swap3A_10, %swap3A_11], %broadcast_in_dim3A {strides = array<i32>} : memref<1x1000x4096xf32, #tpu.memory_space<vmem>>, vector<1x1000x4096xf32>,
    return
  }
  func.func @transform_0(%arg0: i32) -> (i32, i32) {
    %c0_i32 = arith.constant 0 : i32
    %c0_i32_0 = arith.constant 0 : i32
    %c0_i32_1 = arith.constant 0 : i32
    return %c0_i32, %c0_i32_0 : i32, i32
  }
  func.func @transform_1(%arg0: i32) -> (i32, i32) {
    %c0_i32 = arith.constant 0 : i32
    %c0_i32_0 = arith.constant 0 : i32
    return %arg0, %c0_i32 : i32, i32
  }
  func.func @transform_2(%arg0: i32) -> (i32, i32) {
    %c0_i32 = arith.constant 0 : i32
    %c0_i32_0 = arith.constant 0 : i32
    %c0_i32_1 = arith.constant 0 : i32
    return %c0_i32, %c0_i32_0 : i32, i32
  }
  func.func @transform_3(%arg0: i32) -> (i32, i32, i32) {
    %c0_i32 = arith.constant 0 : i32
    %c0_i32_0 = arith.constant 0 : i32
    %c0_i32_1 = arith.constant 0 : i32
    return %arg0, %c0_i32, %c0_i32_0 : i32, i32, i32
  }
}

</mosaic_0001>

<sc_bundles>
// kernel: kernel.4.cloned.1.call-start
scs
__scs_entry_jumppad:
0x0: {  	(pc) =	sbr.rel $0x88, $3  }
0x1: {  	(tag) =	ssettag $0x0;
	lr =	simm.s32 $0x1  }
0x2: {  	[smem:$0x3F9D] =	sst lr;
	_ =	strace $0xD0000000  }
0x3: {  	_ = 	snop  }
0x4: {  	_ = 	snop  }
0x5: {  	_ = 	snop  }
0x6: {  	_ = 	snop  }
0x7: {  	_ = 	snop  }
__scs_overlays_trampoline_lowered:
0x8: {  	[smem:$0x3FAC] =	sst s0  }
0x9: {  	[smem:$0x3FAD] =	sst s1  }
0xa: {  	[smem:$0x3FAE] =	sst s2  }
0xb: {  	[smem:$0x3FAF] =	sst s3  }
0xc: {  	[smem:$0x3FB0] =	sst s4  }
0xd: {  	[smem:$0x3FB1] =	sst s5  }
0xe: {  	[smem:$0x3FB2] =	sst s6  }
0xf: {  	[smem:$0x3FB3] =	sst s7  }
0x10: {  	[smem:$0x3FB4] =	sst s8  }
0x11: {  	[smem:$0x3FB5] =	sst s9;
	s0 =	simm.s32 @!p0 $0x0  }
0x12: {  	s1 =	sld [smem:$0x3F9B];
	s0 =	simm.s32 @p0 $0x1  }
0x13: {  	[smem:$0x3FB6] =	sst s0;
	s0 =	simm.s32 @!p1 $0x0  }
0x14: {  	s2 =	sld [smem:$0x3F9A];
	s0 =	simm.s32 @p1 $0x1  }
0x15: {  	[smem:$0x3FB7] =	sst s0;
	s0 =	simm.s32 @!p2 $0x0  }
0x16: {  	s3 =	sld [smem:$0x3FDB];
	s0 =	simm.s32 @p2 $0x1  }
0x17: {  	s4 =	simm.s32 $0x1BF5;
	[smem:$0x3FB9] =	sst s0  }
0x18: {  	s0 =	sld [smem:$0x3F9C];
	_ =	swait.ge [sflag:s4], $0x0  }
0x19: {  	s7 =	sld [smem:$0x3F9D]  }
0x1a: {  	s8 =	sadd.s32 $0xFFFFE003, lr  }
0x1b: {  	s9 =	sadd.s32 $0xFFFFFEF7, lr;
	s5 =	simm.s32 $0xFFFFFFFF;
	p2 =	slt.u32 s8, $0xFFFFF086  }
0x1c: {  	p1 =	slt.u32 s9, $0xF7A;
	s5 =	simm.s32 @!p2 $0x0  }
0x1d: {  	s5 =	simm.s32 @p1 $0x1;
	p0 =	seq.s32 s7, s2  }
0x1e: {  	s7 =	smul.u32 @!p0 $0xF7A, s2;
	p2 =	seq.s32 @!p0 s5, $0x0  }
0x1f: {  	s9 =	smul.u32 $0xF7A, s1;
	s8 =	simm.s32 @!p0 $0x1BF5;
	p2 =	por !p2, p0  }
0x20: {  	[sflag:s8] =	ssyncset.s32 @!p0 $0xFFFFF086;
	s6 =	sadd.s32 @!p0 s3, s7;
	s7 =	simm.s32 @!p0 $0x108  }
0x21: {  	s3 =	sadd.s32 s3, s9;
	s6 =	sadd.s32 @!p0 $0x88, s6;
	s7 =	simm.s32 @p2 $0x1082  }
0x22: {  	[simem:s7], [sflag:s8] =	dma.local @!p0 [hbm:s6], $0xF7A  }
0x23: {  	s9 =	sor.u32 $0xD0000000, s2;
	s6 =	simm.s32 $0x108;
	_ =	swait.ge @!p0 [sflag:s8], $0x0  }
0x24: {  	s3 =	sadd.s32 $0x88, s3;
	s6 =	simm.s32 @!p1 $0x1082;
	[sflag:s4] =	ssyncset.s32 $0xFFFFF086  }
0x25: {  	[simem:s6], [sflag:s4] =	dma.local [hbm:s3], $0xF7A  }
0x26: {  	[smem:$0x3F9D] =	sst s1;
	(tag) =	ssettag s2;
	_ =	strace s9  }
0x27: {  	s1 =	sld [smem:$0x3FAD]  }
0x28: {  	s2 =	sld [smem:$0x3FAE]  }
0x29: {  	s4 =	sld [smem:$0x3FB0]  }
0x2a: {  	p0 =	seq.s32 s5, $0x0;
	s5 =	sld [smem:$0x3FB1]  }
0x2b: {  	s6 =	sld [smem:$0x3FB2]  }
0x2c: {  	s7 =	sld [smem:$0x3FB3]  }
0x2d: {  	s3 =	simm.s32 $0x108;
	s8 =	sld [smem:$0x3FB4]  }
0x2e: {  	s3 =	simm.s32 @!p0 $0x1082;
	s9 =	sld [smem:$0x3FB5]  }
0x2f: {  	lr =	sadd.s32 s0, s3;
	s0 =	sld [smem:$0x3FAC]  }
0x30: {  	s3 =	sld [smem:$0x3FAF]  }
0x31: {  	[smem:$0x3FB8] =	sst s10  }
0x32: {  	s10 =	sld [smem:$0x3FB6];
	_ =	sdelay $0x3  }
0x33: {  	p0 =	seq.s32 s10, $0x1;
	s10 =	sld [smem:$0x3FB8];
	_ =	sdelay $0x3  }
0x34: {  	[smem:$0x3FB8] =	sst s10  }
0x35: {  	s10 =	sld [smem:$0x3FB7];
	_ =	sdelay $0x3  }
0x36: {  	p1 =	seq.s32 s10, $0x1;
	s10 =	sld [smem:$0x3FB8];
	_ =	sdelay $0x3  }
0x37: {  	[smem:$0x3FB8] =	sst s10  }
0x38: {  	s10 =	sld [smem:$0x3FB9]  }
0x39: {  	_ = 	snop;
	(pc) =	sbr.ind lr, $3  }
0x3a: {  	_ = 	snop  }
0x3b: {  	_ = 	snop  }
0x3c: {  	p2 =	seq.s32 s10, $0x1;
	s10 =	sld [smem:$0x3FB8]  }
0x3d: {  	_ =	shalt  }
0x3e: {  	_ =	shalt  }
0x3f: {  	_ =	shalt  }
0x40: {  	_ =	shalt  }
0x41: {  	_ =	shalt  }
0x42: {  	_ =	shalt  }
0x43: {  	_ =	shalt  }
0x44: {  	_ =	shalt  }
0x45: {  	_ =	shalt  }
0x46: {  	_ =	shalt  }
0x47: {  	_ =	shalt  }
0x48: {  	_ =	shalt  }
0x49: {  	_ =	shalt  }
0x4a: {  	_ =	shalt  }
0x4b: {  	_ =	shalt  }
0x4c: {  	_ =	shalt  }
0x4d: {  	_ =	shalt  }
0x4e: {  	_ =	shalt  }
0x4f: {  	_ =	shalt  }
0x50: {  	_ =	shalt  }
0x51: {  	_ =	shalt  }
0x52: {  	_ =	shalt  }
0x53: {  	_ =	shalt  }
0x54: {  	_ =	shalt  }
0x55: {  	_ =	shalt  }
0x56: {  	_ =	shalt  }
0x57: {  	_ =	shalt  }
0x58: {  	_ =	shalt  }
0x59: {  	_ =	shalt  }
0x5a: {  	_ =	shalt  }
0x5b: {  	_ =	shalt  }
0x5c: {  	_ =	shalt  }
0x5d: {  	_ =	shalt  }
0x5e: {  	_ =	shalt  }
0x5f: {  	_ =	shalt  }
0x60: {  	_ =	shalt  }
0x61: {  	_ =	shalt  }
0x62: {  	_ =	shalt  }
0x63: {  	_ =	shalt  }
0x64: {  	_ =	shalt  }
0x65: {  	_ =	shalt  }
0x66: {  	_ =	shalt  }
0x67: {  	_ =	shalt  }
0x68: {  	_ =	shalt  }
0x69: {  	_ =	shalt  }
0x6a: {  	_ =	shalt  }
0x6b: {  	_ =	shalt  }
0x6c: {  	_ =	shalt  }
0x6d: {  	_ =	shalt  }
0x6e: {  	_ =	shalt  }
0x6f: {  	_ =	shalt  }
0x70: {  	_ =	shalt  }
0x71: {  	_ =	shalt  }
0x72: {  	_ =	shalt  }
0x73: {  	_ =	shalt  }
0x74: {  	_ =	shalt  }
0x75: {  	_ =	shalt  }
0x76: {  	_ =	shalt  }
0x77: {  	_ =	shalt  }
0x78: {  	_ =	shalt  }
0x79: {  	_ =	shalt  }
0x7a: {  	_ =	shalt  }
0x7b: {  	_ =	shalt  }
0x7c: {  	_ =	shalt  }
0x7d: {  	_ =	shalt  }
0x7e: {  	_ =	shalt  }
0x7f: {  	_ =	shalt  }
0x80: {  	_ =	shalt  }
0x81: {  	_ =	shalt  }
0x82: {  	_ =	shalt  }
0x83: {  	_ =	shalt  }
0x84: {  	_ =	shalt  }
0x85: {  	_ =	shalt  }
0x86: {  	_ =	shalt  }
0x87: {  	_ =	shalt  }
.Lfunc_end0:
.L_simem_size_0:
called_computation_lowered:
.L_overlay_start_0:
0x88: {  	s2 =	sld [smem:$0x3FD9]  }
0x89: {  	s3 =	sld [smem:$0x3FFE];
	_ =	sdelay $0x1  }
0x8a: {  	s1 =	srdreg.scid  }
0x8b: {  	s0 =	sand.u32 $0x1, s1  }
0x8c: {  	s17 =	sshll.u32 s0, $0xA;
	s2 =	sadd.s32 s3, s2  }
0x8d: {  	s2 =	sadd.s32 s2, s17  }
0x8e: {  	[smem:$0x3FC4] =	sst s2  }
0x8f: {  	_ = 	snop  }
0x90: {  	s2 =	sld [smem:$0x3FD0];
	(tm) =	ssettm $0x1  }
0x91: {  	s18 =	sld [smem:$0x3FFB];
	_ =	sdelay $0x3  }
0x92: {  	_ =	strace s18  }
0x93: {  	s3 =	sld [smem:$0x3FFC];
	_ =	sdelay $0x3  }
0x94: {  	_ =	strace s3  }
0x95: {  	s3 =	sld [smem:$0x3FFD];
	_ =	sdelay $0x3  }
0x96: {  	_ =	strace s3  }
0x97: {  	_ =	strace $0x8FFFFFFF  }
0x98: {  	s19 =	sld [smem:$0x3FDB];
	_ =	sdelay $0x1  }
0x99: {  	s4 =	simm.s32 $_scs_section_size  }
0x9a: {  	s5 =	simm.s32 $_size__tile_overlayer_lowered;
	s6 =	simm.s32 $_tile_overlayer_lowered  }
0x9b: {  	s22 =	simm.s32 $0x1BFF;
	s21 =	sshll.u32 s6, $0x1;
	s3 =	sadd.s32 s4, s19  }
0x9c: {  	s7 =	simm.s32 $0x0;
	s20 =	sshll.u32 s5, $0x1;
	s5 =	sadd.s32 s21, s3  }
0x9d: {  	[timem:s7], [sflag:s22] =	dma.local [hbm:s5], s20  }
0x9e: {  	_ =	swait.ge [sflag:s22], s20  }
0x9f: {  	s4 =	ssub.s32 $0x0, s20;
	[sflag:s22] =	ssyncset.done $0x0  }
0xa0: {  	[sflag:s22] =	ssyncadd.s32 s4;
	_ =	sdelay $0x1  }
0xa1: {  	s23 =	simm.s32 $0x1B8B  }
0xa2: {  	_ =	swait.ge [sflag:s23], $0x1  }
0xa3: {  	[sflag:s23] =	ssyncset.done $0x0  }
0xa4: {  	s25 =	simm.s32 $0x1B8E;
	s24 =	sld [smem:$0x3FFE];
	[sflag:s23] =	ssyncadd.s32 $0xFFFFFFFF  }
0xa5: {  	s26 =	simm.s32 $execute0_lowered;
	[smem:$0x3FD2] =	sst s25  }
0xa6: {  	s5 =	sshll.u32 s26, $0x1;
	_ =	strace $0x80000046;
	[dreg:$0x1] =	wrdreg $0xFFFFFFFF  }
0xa7: {  	s28 =	simm.s32 $_size_execute0_lowered;
	s3 =	sadd.s32 s3, s5;
	[dreg:$0x0] =	wrdreg $0x0  }
0xa8: {  	s5 =	sshll.u32 s28, $0x1;
	[dreg:$0x2] =	wrdreg s3  }
0xa9: {  	[dreg:$0x3] =	wrdreg s5  }
0xaa: {  	[dreg:$0x4] =	wrdreg $0xC0  }
0xab: {  	_ =	task [dreg:s7], $0x5FFFF  }
0xac: {  	[dreg:$0x1] =	wrdreg $0xFFFFFFFF  }
0xad: {  	[dreg:$0x0] =	wrdreg $0x60  }
0xae: {  	[dreg:$0x2] =	wrdreg s2  }
0xaf: {  	[dreg:$0x3] =	wrdreg s24  }
0xb0: {  	[dreg:$0x4] =	wrdreg $0x9  }
0xb1: {  	_ =	task.clear_ibuf [dreg:s7], $0x5FFFF;
	_ =	strace $0x90000046  }
0xb2: {  	s29 =	simm.s32 $0x9;
	_ =	strace $0x80000048  }
0xb3: {  	_ =	swait.ge [sflag:s29], $0x1  }
0xb4: {  	[sflag:s29] =	ssyncadd.s32 $0xFFFFFFFF  }
0xb5: {  	_ =	strace $0x90000048  }
0xb6: {  	_ =	sfence  }
0xb7: {  	s30 =	sld [smem:$0x0];
	_ =	sdelay $0x2  }
0xb8: {  	s31 =	sshll.u32 s1, $0xD;
	s1 =	sshrl.u32 s1, $0x2  }
0xb9: {  	s3 =	sand.u32 $0x4000, s31;
	s1 =	sadd.s32 s1, s30  }
0xba: {  	s0 =	sor.u32 s3, s0;
	s1 =	sshll.u32 s1, $0x11  }
0xbb: {  	s0 =	sor.u32 s1, s0  }
0xbc: {  	s0 =	sadd.s32 $0x8F2B, s0  }
0xbd: {  	[sflag:s0] =	ssyncadd.remote.s32 $0x1  }
0xbe: {  	_ =	sfence.sel $0xFFFF  }
0xbf: {  	[dreg:$0x0] =	wrdreg $0xFFFFFFFF;
	(pc) =	sbr.abs _section_cstart, $3  }
0xc0: {  	[dreg:$0x1] =	wrdreg $0xFFFFFFFF  }
0xc1: {  	_ =	task.clear_ibuf [dreg:s7], $0x2FFFF;
	_ =	strace $0x9FFFFFFF  }
0xc2: {  	(tm) =	ssettm $0x7FFFFFFF  }
0xc3: {  	_ =	shalt  }
tec
execute0_lowered:
.L_overlay_start_1:
0x0: {  	(tag) =	ssettag $0x1  }
0x1: {  	s1 =	srdreg.scid;
	s2 =	rddreg [dreg:$0x0]  }
0x2: {  	s0 =	stileid.u32;
	s4 =	rddreg [dreg:$0x1];
	s3 =	simm.s32 $0x0  }
0x3: {  	s14 =	simm.s32 $0x5;
	s15 =	simm.s32 $0x80;
	s16 =	simm.s32 $0xA00  }
0x4: {  	s17 =	simm.s32 $0x4A00;
	s18 =	simm.s32 $0x100;
	s19 =	simm.s32 $0x8A00  }
0x5: {  	s20 =	simm.s32 $0x180;
	s21 =	simm.s32 $0xCA00;
	s11 =	smul.u32 $0xA0000, s0  }
0x6: {  	s22 =	simm.s32 $0x1;
	s6 =	sand.u32 $0x1, s1;
	s28 =	smul.u32 $0x1400, s0  }
0x7: {  	s23 =	simm.s32 $0x2;
	s24 =	sshll.u32 s0, $0x1;
	s13 =	smul.u32 $0xA00, s6  }
0x8: {  	[smem:$0x7FF] =	sst s3;
	s5 =	sor.u32 s6, s24;
	s30 =	smul.u32 $0x50000, s6  }
0x9: {  	s12 =	sadd.s32 $0x2A00, s4;
	_ =	strace $0x80000047;
	s7 =	smul.u32 $0x140, s5  }
0xa: {  	s9 =	ssub.s32 $0x2, s6;
	s24 =	simm.s32 $0x3;
	s8 =	smul.u32 $0x50000, s5  }
0xb: {  	s10 =	smul.u32 $0xA000, s5;
	s26 =	sshrl.u32 s9, $0x1;
	s11 =	sadd.s32 s30, s11  }
0xc: {  	s25 =	sadd.s32 s7, s4;
	s7 =	ssub.s32 s9, s26;
	s8 =	sshrl.u32 s8, $0x3  }
0xd: {  	s10 =	sadd.s32 s12, s10;
	s9 =	sadd.s32 s13, s28;
	s11 =	sshrl.u32 s11, $0x3  }
0xe: {  	s26 =	simm.s32 $0x0;
	s4 =	sadd.s32 $0x200, s25;
	s5 =	smax.u32 s7, $0x1  }
0xf: {  	s29 =	sadd.s32 s12, s8;
	s7 =	sadd.s32 $0x8800, s10;
	s9 =	sshll.u32 s9, $0x4  }
0x10: {  	s8 =	sadd.s32 $0x9000, s10;
	s25 =	simm.s32 $0x4;
	s6 =	sadd.s32 $0x8000, s29  }
0x11: {  	s31 =	sadd.s32 s9, s12;
	s9 =	sadd.s32 $0x9800, s10;
	s10 =	sadd.s32 s11, s12  }
0x12: {  	s11 =	sadd.s32 $0x1800, s31;
	s12 =	sadd.s32 $0x1000, s31;
	s13 =	sadd.s32 $0x800, s31  }
.LBB2_1:
0x13: {  	[tilespmem:s3], [sflag:$0x5] =	stream.linear.gather [hbm4b:s4+s3], $0xA00, $0x38;
	[tilespmem:$0x10A00] =	vst v63  }
0x14: {  	_ =	swait.ge [sflag:s14], $0xA00  }
0x15: {  	[sflag:s14] =	ssyncset.done $0x0  }
0x16: {  	[sflag:s14] =	ssyncadd.s32 $0xFFFFF600  }
0x17: {  	[tilespmem:s16], [sflag:$0x1] =	stream.indirect.gather [hbm4b:s2+s15], $0x80, s3, s15, $0xb8;
	[tilespmem:$0x10A00] =	vst v63  }
0x18: {  	_ = 	snop  }
0x19: {  	[tilespmem:s17], [sflag:$0x2] =	stream.indirect.gather [hbm4b:s2+s15], $0x80, s15, s15, $0xb8;
	[tilespmem:$0x10A00] =	vst v63  }
0x1a: {  	_ = 	snop  }
0x1b: {  	[tilespmem:s19], [sflag:$0x3] =	stream.indirect.gather [hbm4b:s2+s15], $0x80, s18, s15, $0xb8;
	[tilespmem:$0x10A00] =	vst v63  }
0x1c: {  	_ = 	snop  }
0x1d: {  	[tilespmem:s21], [sflag:$0x4] =	stream.indirect.gather [hbm4b:s2+s15], $0x80, s20, s15, $0xb8;
	[tilespmem:$0x10A00] =	vst v63  }
0x1e: {  	_ =	swait.ge [sflag:s22], $0x4000  }
0x1f: {  	[sflag:s22] =	ssyncset.done $0x0  }
0x20: {  	s28 =	sadd.s32 $0x0, s10;
	[sflag:s22] =	ssyncadd.s32 $0xFFFFC000  }
0x21: {  	[hbm4b:s28+s3] =	stream.linear.scatter [tilespmem:s16], [sflag:$0x5], $0x4000, $0x38;
	[tilespmem:$0x10A00] =	vst v63  }
0x22: {  	_ =	swait.ge [sflag:s14], $0x4000  }
0x23: {  	[sflag:s14] =	ssyncset.done $0x0  }
0x24: {  	s28 =	simm.s32 $0x200;
	[sflag:s14] =	ssyncadd.s32 $0xFFFFC000  }
0x25: {  	[tilespmem:s16], [sflag:$0x1] =	stream.indirect.gather [hbm4b:s2+s15], $0x80, s28, s15, $0xb8;
	[tilespmem:$0x10A00] =	vst v63  }
0x26: {  	_ =	swait.ge [sflag:s23], $0x4000  }
0x27: {  	[sflag:s23] =	ssyncset.done $0x0  }
0x28: {  	s28 =	sadd.s32 $0x0, s13;
	[sflag:s23] =	ssyncadd.s32 $0xFFFFC000  }
0x29: {  	[hbm4b:s28+s3] =	stream.linear.scatter [tilespmem:s17], [sflag:$0x5], $0x4000, $0x38;
	[tilespmem:$0x10A00] =	vst v63  }
0x2a: {  	_ =	swait.ge [sflag:s14], $0x4000  }
0x2b: {  	[sflag:s14] =	ssyncset.done $0x0  }
0x2c: {  	s28 =	simm.s32 $0x280;
	[sflag:s14] =	ssyncadd.s32 $0xFFFFC000  }
0x2d: {  	[tilespmem:s17], [sflag:$0x2] =	stream.indirect.gather [hbm4b:s2+s15], $0x80, s28, s15, $0xb8;
	[tilespmem:$0x10A00] =	vst v63  }
0x2e: {  	_ =	swait.ge [sflag:s24], $0x4000  }
0x2f: {  	[sflag:s24] =	ssyncset.done $0x0  }
0x30: {  	s28 =	sadd.s32 $0x0, s12;
	[sflag:s24] =	ssyncadd.s32 $0xFFFFC000  }
0x31: {  	[hbm4b:s28+s3] =	stream.linear.scatter [tilespmem:s19], [sflag:$0x5], $0x4000, $0x38;
	[tilespmem:$0x10A00] =	vst v63  }
0x32: {  	_ =	swait.ge [sflag:s14], $0x4000  }
0x33: {  	[sflag:s14] =	ssyncset.done $0x0  }
0x34: {  	s28 =	simm.s32 $0x300;
	[sflag:s14] =	ssyncadd.s32 $0xFFFFC000  }
0x35: {  	[tilespmem:s19], [sflag:$0x3] =	stream.indirect.gather [hbm4b:s2+s15], $0x80, s28, s15, $0xb8;
	[tilespmem:$0x10A00] =	vst v63  }
0x36: {  	_ =	swait.ge [sflag:s25], $0x4000  }
0x37: {  	[sflag:s25] =	ssyncset.done $0x0  }
0x38: {  	s28 =	sadd.s32 $0x0, s11;
	[sflag:s25] =	ssyncadd.s32 $0xFFFFC000  }
0x39: {  	[hbm4b:s28+s3] =	stream.linear.scatter [tilespmem:s21], [sflag:$0x5], $0x4000, $0x38;
	[tilespmem:$0x10A00] =	vst v63  }
0x3a: {  	_ =	swait.ge [sflag:s14], $0x4000  }
0x3b: {  	s29 =	simm.s32 $0x2000;
	[sflag:s14] =	ssyncset.done $0x0  }
0x3c: {  	s30 =	simm.s32 $0x580;
	s28 =	simm.s32 $0x380;
	[sflag:s14] =	ssyncadd.s32 $0xFFFFC000  }
.LBB2_2:
0x3d: {  	[tilespmem:s21], [sflag:$0x4] =	stream.indirect.gather [hbm4b:s2+s15], $0x80, s28, s15, $0xb8;
	[tilespmem:$0x10A00] =	vst v63  }
0x3e: {  	s31 =	smov.u32 s29;
	s28 =	smov.u32 s30  }
0x3f: {  	p0 =	sne.s32 s29, $0x6000;
	s29 =	sadd.s32 $0x2000, s29;
	_ =	swait.ge [sflag:s22], $0x4000  }
0x40: {  	[sflag:s22] =	ssyncset.done $0x0  }
0x41: {  	s1 =	sadd.s32 s31, s10;
	[sflag:s22] =	ssyncadd.s32 $0xFFFFC000  }
0x42: {  	[hbm4b:s1+s3] =	stream.linear.scatter [tilespmem:s16], [sflag:$0x5], $0x4000, $0x38;
	[tilespmem:$0x10A00] =	vst v63  }
0x43: {  	_ =	swait.ge [sflag:s14], $0x4000  }
0x44: {  	[sflag:s14] =	ssyncset.done $0x0  }
0x45: {  	s1 =	sadd.s32 $0xFFFFFE80, s30;
	[sflag:s14] =	ssyncadd.s32 $0xFFFFC000  }
0x46: {  	[tilespmem:s16], [sflag:$0x1] =	stream.indirect.gather [hbm4b:s2+s15], $0x80, s1, s15, $0xb8;
	[tilespmem:$0x10A00] =	vst v63  }
0x47: {  	_ =	swait.ge [sflag:s23], $0x4000  }
0x48: {  	[sflag:s23] =	ssyncset.done $0x0  }
0x49: {  	s1 =	sadd.s32 s31, s13;
	[sflag:s23] =	ssyncadd.s32 $0xFFFFC000  }
0x4a: {  	[hbm4b:s1+s3] =	stream.linear.scatter [tilespmem:s17], [sflag:$0x5], $0x4000, $0x38;
	[tilespmem:$0x10A00] =	vst v63  }
0x4b: {  	_ =	swait.ge [sflag:s14], $0x4000  }
0x4c: {  	[sflag:s14] =	ssyncset.done $0x0  }
0x4d: {  	s1 =	sadd.s32 $0xFFFFFF00, s30;
	[sflag:s14] =	ssyncadd.s32 $0xFFFFC000  }
0x4e: {  	[tilespmem:s17], [sflag:$0x2] =	stream.indirect.gather [hbm4b:s2+s15], $0x80, s1, s15, $0xb8;
	[tilespmem:$0x10A00] =	vst v63  }
0x4f: {  	_ =	swait.ge [sflag:s24], $0x4000  }
0x50: {  	[sflag:s24] =	ssyncset.done $0x0  }
0x51: {  	s1 =	sadd.s32 s31, s12;
	[sflag:s24] =	ssyncadd.s32 $0xFFFFC000  }
0x52: {  	[hbm4b:s1+s3] =	stream.linear.scatter [tilespmem:s19], [sflag:$0x5], $0x4000, $0x38;
	[tilespmem:$0x10A00] =	vst v63  }
0x53: {  	_ =	swait.ge [sflag:s14], $0x4000  }
0x54: {  	[sflag:s14] =	ssyncset.done $0x0  }
0x55: {  	s1 =	sadd.s32 $0xFFFFFF80, s30;
	[sflag:s14] =	ssyncadd.s32 $0xFFFFC000  }
0x56: {  	[tilespmem:s19], [sflag:$0x3] =	stream.indirect.gather [hbm4b:s2+s15], $0x80, s1, s15, $0xb8;
	[tilespmem:$0x10A00] =	vst v63  }
0x57: {  	_ =	swait.ge [sflag:s25], $0x4000  }
0x58: {  	[sflag:s25] =	ssyncset.done $0x0  }
.Ltmp0:
0x59: {  	s1 =	sadd.s32 s31, s11;
	[sflag:s25] =	ssyncadd.s32 $0xFFFFC000;
	(pc) =	sbr.rel @p0 .LBB2_2-.Ltmp0, $4  }
0x5a: {  	[hbm4b:s1+s3] =	stream.linear.scatter [tilespmem:s21], [sflag:$0x5], $0x4000, $0x38;
	[tilespmem:$0x10A00] =	vst v63  }
0x5b: {  	_ =	swait.ge [sflag:s14], $0x4000  }
0x5c: {  	[sflag:s14] =	ssyncset.done $0x0  }
0x5d: {  	s30 =	sadd.s32 $0x200, s30;
	[sflag:s14] =	ssyncadd.s32 $0xFFFFC000  }
0x5e: {  	[tilespmem:s21], [sflag:$0x4] =	stream.indirect.gather [hbm4b:s2+s15], $0x80, s28, s15, $0xb8;
	[tilespmem:$0x10A00] =	vst v63  }
0x5f: {  	_ =	swait.ge [sflag:s22], $0x4000  }
0x60: {  	[sflag:s22] =	ssyncset.done $0x0  }
0x61: {  	[sflag:s22] =	ssyncadd.s32 $0xFFFFC000  }
0x62: {  	[hbm4b:s6+s3] =	stream.linear.scatter [tilespmem:s16], [sflag:$0x5], $0x4000, $0x38;
	[tilespmem:$0x10A00] =	vst v63  }
0x63: {  	_ =	swait.ge [sflag:s14], $0x4000  }
0x64: {  	[sflag:s14] =	ssyncset.done $0x0  }
0x65: {  	[sflag:s14] =	ssyncadd.s32 $0xFFFFC000  }
0x66: {  	_ =	swait.ge [sflag:s23], $0x4000  }
0x67: {  	[sflag:s23] =	ssyncset.done $0x0  }
0x68: {  	[sflag:s23] =	ssyncadd.s32 $0xFFFFC000  }
0x69: {  	[hbm4b:s7+s3] =	stream.linear.scatter [tilespmem:s17], [sflag:$0x5], $0x4000, $0x38;
	[tilespmem:$0x10A00] =	vst v63  }
0x6a: {  	_ =	swait.ge [sflag:s14], $0x4000  }
0x6b: {  	[sflag:s14] =	ssyncset.done $0x0  }
0x6c: {  	[sflag:s14] =	ssyncadd.s32 $0xFFFFC000  }
0x6d: {  	_ =	swait.ge [sflag:s24], $0x4000  }
0x6e: {  	[sflag:s24] =	ssyncset.done $0x0  }
0x6f: {  	[sflag:s24] =	ssyncadd.s32 $0xFFFFC000  }
0x70: {  	[hbm4b:s8+s3] =	stream.linear.scatter [tilespmem:s19], [sflag:$0x5], $0x4000, $0x38;
	[tilespmem:$0x10A00] =	vst v63  }
0x71: {  	_ =	swait.ge [sflag:s14], $0x4000  }
0x72: {  	[sflag:s14] =	ssyncset.done $0x0  }
0x73: {  	[sflag:s14] =	ssyncadd.s32 $0xFFFFC000  }
0x74: {  	s26 =	sadd.s32 $0x1, s26;
	_ =	swait.ge [sflag:s25], $0x4000  }
0x75: {  	p0 =	sne.s32 s26, s5;
	[sflag:s25] =	ssyncset.done $0x0  }
.Ltmp1:
0x76: {  	[sflag:s25] =	ssyncadd.s32 $0xFFFFC000;
	(pc) =	sbr.rel @p0 .LBB2_1-.Ltmp1, $4  }
0x77: {  	[hbm4b:s9+s3] =	stream.linear.scatter [tilespmem:s21], [sflag:$0x5], $0x4000, $0x38;
	[tilespmem:$0x10A00] =	vst v63  }
0x78: {  	_ =	swait.ge [sflag:s14], $0x4000  }
0x79: {  	[sflag:s14] =	ssyncset.done $0x0  }
0x7a: {  	[sflag:s14] =	ssyncadd.s32 $0xFFFFC000  }
0x7b: {  	_ =	sfence.sel $0x180000  }
0x7c: {  	[bflag:$0x0] =	sbarrier.arrive $0xFFFF  }
0x7d: {  	_ =	strace $0x90000047  }
0x7e: {  	[bflag:$0x2] =	sbarrier.arrive $0xFFFF  }
0x7f: {  	p0 =	sne.s32 s0, $0x0;
	s0 =	rddreg [dreg:$0x2]  }
0x80: {  	s0 =	sadd.s32 @!p0 $0x100000, s0  }
0x81: {  	[sflag:s0] =	ssyncadd.tile.s32 @!p0 $0x1;
	_ =	shalt  }
.Lfunc_end2:
_tile_overlayer_lowered:
.L_overlay_start_2:
0x82: {  	(tag) =	ssettag $0x2  }
0x83: {  	s0 =	rddreg [dreg:$0x0];
	s2 =	stileid.u32  }
0x84: {  	s1 =	rddreg [dreg:$0x1];
	p0 =	sne.s32 s2, $0x0  }
0x85: {  	s3 =	rddreg [dreg:$0x2];
	[bflag:$0x3] =	sbarrier.arrive $0xFFFF;
	s2 =	simm.s32 @!p0 $0x1C05  }
0x86: {  	[timem:s3], [sflag:s2] =	dma.local @!p0 [hbm:s0], s1  }
0x87: {  	s0 =	simm.s32 @!p0 $0x5  }
0x88: {  	_ =	swait.ge @!p0 [sflag:s0], s1  }
0x89: {  	s1 =	ssub.s32 @!p0 $0x0, s1;
	[sflag:s0] =	ssyncset.done @!p0 $0x0  }
0x8a: {  	[sflag:s0] =	ssyncadd.s32 @!p0 s1  }
0x8b: {  	[bflag:$0x3] =	sbarrier.arrive $0xFFFF  }
0x8c: {  	_ =	shalt  }

</sc_bundles>
